<compile_context>
chip_gen: v7x
topology: tpu7x:2x2x1
jax: 0.10.2.dev20260603
libtpu: 0.0.44.dev20260713+nightly
codegen_flags: <defaults>
</compile_context>

<pallas_src>
import functools

import jax
import jax.numpy as jnp
from jax import lax
from jax.experimental import pallas as pl
from jax.experimental.pallas import tpu as pltpu
from jax.experimental.pallas import tpu_sc as plsc


def _gather_rows(x_flat, tok_embed):
    n = x_flat.shape[0]
    embed = tok_embed.shape[1]
    info = plsc.get_sparse_core_info()
    nc, ns = info.num_cores, info.num_subcores
    nw = nc * ns
    rows_per_w = n // nw
    chunk = 32
    n_chunks = rows_per_w // chunk

    mesh = plsc.VectorSubcoreMesh(core_axis_name="c", subcore_axis_name="s")

    @functools.partial(
        pl.kernel,
        mesh=mesh,
        out_type=jax.ShapeDtypeStruct((n, embed), jnp.float32),
        scratch_types=[
            pltpu.VMEM((rows_per_w,), jnp.int32),
            pltpu.VMEM((chunk, embed), jnp.float32),
            pltpu.VMEM((chunk, embed), jnp.float32),
            pltpu.SemaphoreType.DMA,
            pltpu.SemaphoreType.DMA,
            pltpu.SemaphoreType.DMA,
            pltpu.SemaphoreType.DMA,
        ],
    )
    def k(x_hbm, tok_hbm, out_hbm, idx_v, rows0, rows1, g0, g1, s0, s1):
        wid = lax.axis_index("s") * nc + lax.axis_index("c")
        base = wid * rows_per_w
        pltpu.sync_copy(x_hbm.at[pl.ds(base, rows_per_w)], idx_v)
        rows = (rows0, rows1)
        gsem = (g0, g1)
        ssem = (s0, s1)
        gathers = [None] * n_chunks
        stores = [None] * n_chunks
        for ci in range(n_chunks):
            cur = ci % 2
            if ci >= 2:
                stores[ci - 2].wait()
            gathers[ci] = pltpu.async_copy(
                tok_hbm.at[idx_v.at[pl.ds(ci * chunk, chunk)]],
                rows[cur],
                gsem[cur],
            )
            if ci >= 1:
                gathers[ci - 1].wait()
                stores[ci - 1] = pltpu.async_copy(
                    rows[1 - cur],
                    out_hbm.at[pl.ds(base + (ci - 1) * chunk, chunk)],
                    ssem[1 - cur],
                )
        gathers[n_chunks - 1].wait()
        last = (n_chunks - 1) % 2
        stores[n_chunks - 1] = pltpu.async_copy(
            rows[last],
            out_hbm.at[pl.ds(base + (n_chunks - 1) * chunk, chunk)],
            ssem[last],
        )
        stores[n_chunks - 2].wait()
        stores[n_chunks - 1].wait()

    return k(x_flat, tok_embed)


def _add_cast(h_tok, pos_embed):
    m, k = h_tok.shape
    seq = pos_embed.shape[0]

    rc = 512

    def ac_kernel(h_ref, p_ref, o_ref):
        o_ref[...] = (h_ref[...] + p_ref[...]).astype(jnp.bfloat16)

    return pl.pallas_call(
        ac_kernel,
        grid=(m // rc,),
        in_specs=[
            pl.BlockSpec((rc, k), lambda i: (i, 0)),
            pl.BlockSpec((rc, k), lambda i: (i % (seq // rc), 0)),
        ],
        out_specs=pl.BlockSpec((rc, k), lambda i: (i, 0)),
        out_shape=jax.ShapeDtypeStruct((m, k), jnp.bfloat16),
    )(h_tok, pos_embed)


def _addmm_bias(h16, W, b2d):
    m, k = h16.shape
    n = W.shape[1]
    tn = 1280

    def mm_kernel(h_ref, w_ref, b_ref, out_ref):
        w16 = w_ref[...].astype(jnp.bfloat16)
        mc = 512
        for c in range(m // mc):
            out_ref[pl.ds(c * mc, mc), :] = (
                jnp.dot(
                    h_ref[pl.ds(c * mc, mc), :],
                    w16,
                    preferred_element_type=jnp.float32,
                )
                + b_ref[...]
            )

    return pl.pallas_call(
        mm_kernel,
        grid=(n // tn,),
        in_specs=[
            pl.BlockSpec((m, k), lambda j: (0, 0)),
            pl.BlockSpec((k, tn), lambda j: (0, j)),
            pl.BlockSpec((1, tn), lambda j: (0, j)),
        ],
        out_specs=pl.BlockSpec((m, tn), lambda j: (0, j)),
        out_shape=jax.ShapeDtypeStruct((m, n), jnp.float32),
        compiler_params=pltpu.CompilerParams(
            vmem_limit_bytes=96 * 1024 * 1024
        ),
    )(h16, W, b2d)


def kernel(x, tok_embed, pos_embed, W, b):
    batch, seq = x.shape
    vocab = W.shape[1]
    x_flat = x.reshape(-1).astype(jnp.int32)
    h_tok = _gather_rows(x_flat, tok_embed)
    h16 = _add_cast(h_tok, pos_embed)
    logits = _addmm_bias(h16, W, b.reshape(1, vocab))
    return logits.reshape(batch, seq, vocab), None

# --- scband reference (transcript-rebuilt; emitter-appended) ---
"""Pipeline reference for scband-transformer-76261439308348 (READ-ONLY COPY).

The authoritative reference and input builder live on the scoring server;
editing this copy changes nothing except your own understanding.
"""

import jax, jax.numpy as jnp
import numpy as np

VOCAB = 32000
EMBED = 1024
BLOCK = 2048
B, S = 2, 2048

def setup_inputs(seed: int = 0) -> dict:
    key = jax.random.key(seed)
    k1, k2, k3, k4, k5 = jax.random.split(key, 5)
    x = jax.random.randint(k1, (B, S), 0, VOCAB, dtype=jnp.int64 if jax.config.jax_enable_x64 else jnp.int32)
    tok_embed = jax.random.normal(k2, (VOCAB, EMBED), dtype=jnp.float32) * 0.02
    pos_embed = jax.random.normal(k3, (BLOCK, EMBED), dtype=jnp.float32) * 0.02
    W = jax.random.normal(k4, (EMBED, VOCAB), dtype=jnp.float32) * (1.0 / np.sqrt(EMBED))
    b = jnp.zeros((VOCAB,), dtype=jnp.float32)
    return {"x": x, "tok_embed": tok_embed, "pos_embed": pos_embed, "W": W, "b": b}

def reference(x, tok_embed, pos_embed, W, b):
    batch_size, seq_length = x.shape
    tok_emb = jnp.take(tok_embed, x, axis=0)               # [B, S, E] gather
    positions = jnp.arange(seq_length)                      # [S]
    pos_emb = jnp.take(pos_embed, positions, axis=0)        # [S, E]
    h = tok_emb + pos_emb[None, :, :]                       # [B, S, E]
    logits = jnp.einsum('bse,ev->bsv', h, W) + b            # [B, S, V]
    loss = None
    return (logits, loss)

if __name__ == "__main__":
    import jax
    _d = setup_inputs()
    print(jax.jit(kernel)(*tuple(_d.values())))

</pallas_src>

<mosaic_0001>
#map = affine_map<(d0, d1) -> (0)>
#map1 = affine_map<(d0, d1) -> (0, 0)>
module attributes {stable_mosaic.version = 14 : i64} {
  func.func @k(%arg0: i32, %arg1: i32, %arg2: memref<4096xi32, #tpu.memory_space<hbm>>, %arg3: memref<32000x1024xf32, #tpu.memory_space<hbm>>, %arg4: memref<4096x1024xf32, #tpu.memory_space<hbm>>, %arg5: memref<128xi32, #tpu.memory_space<vmem>>, %arg6: memref<32x1024xf32, #tpu.memory_space<vmem>>, %arg7: memref<32x1024xf32, #tpu.memory_space<vmem>>, %arg8: memref<!tpu.dma_semaphore, #tpu.memory_space<semaphore_mem>>, %arg9: memref<!tpu.dma_semaphore, #tpu.memory_space<semaphore_mem>>, %arg10: memref<!tpu.dma_semaphore, #tpu.memory_space<semaphore_mem>>, %arg11: memref<!tpu.dma_semaphore, #tpu.memory_space<semaphore_mem>>) attributes {dimension_semantics = [#tpu.dimension_semantics<core_parallel>, #tpu.dimension_semantics<subcore_parallel>], iteration_bounds = array<i64: 2, 16>, scalar_prefetch = 0 : i64, scratch_operands = 7 : i64, tpu.core_type = #tpu.core_type<sc_vector_subcore>, window_params = [{transform_indices = #map}, {transform_indices = #map1}, {transform_indices = #map1}]} {
    %mul3A = arith.constant 2 : i32
    %mul3A_0 = arith.muli %arg1, %mul3A : i32
    %add3A = arith.addi %mul3A_0, %arg0 : i32
    %mul3A_1 = arith.constant 128 : i32
    %mul3A_2 = arith.muli %add3A, %mul3A_1 : i32
    "tpu.region"() ({
      %run_scoped3A = tpu.sem_alloc : memref<!tpu.dma_semaphore, #tpu.memory_space<semaphore_mem>>
      %dma_start3A_81 = tpu.memref_slice %arg2[%mul3A_2] : memref<4096xi32, #tpu.memory_space<hbm>> -> memref<128xi32, #tpu.memory_space<hbm>>
      %dma_start3A_82 = tpu.memref_slice %arg2[%mul3A_2] : memref<4096xi32, #tpu.memory_space<hbm>> -> memref<128xi32, #tpu.memory_space<hbm>>
      tpu.enqueue_dma source(%dma_start3A_82 : memref<128xi32, #tpu.memory_space<hbm>>) target(%arg5 : memref<128xi32, #tpu.memory_space<vmem>>) target_semaphore(%run_scoped3A : memref<!tpu.dma_semaphore, #tpu.memory_space<semaphore_mem>>)
      %dma_wait3A_83 = tpu.memref_slice %arg2[%mul3A_2] : memref<4096xi32, #tpu.memory_space<hbm>> -> memref<128xi32, #tpu.memory_space<hbm>>
      %dma_wait3A_84 = tpu.memref_slice %arg2[%mul3A_2] : memref<4096xi32, #tpu.memory_space<hbm>> -> memref<128xi32, #tpu.memory_space<hbm>>
      tpu.wait_dma2 semaphore(%run_scoped3A : memref<!tpu.dma_semaphore, #tpu.memory_space<semaphore_mem>>) src(%dma_wait3A_84 : memref<128xi32, #tpu.memory_space<hbm>>) dst(%arg5 : memref<128xi32, #tpu.memory_space<vmem>>)
      tpu.yield
    }) : () -> ()
    %dma_start3A = arith.constant 0 : i32
    %dma_start3A_3 = tpu.memref_slice %arg5[%dma_start3A] : memref<128xi32, #tpu.memory_space<vmem>> -> memref<32xi32, #tpu.memory_space<vmem>>
    %dma_start3A_4 = arith.constant 0 : i32
    %dma_start3A_5 = arith.constant 0 : i32
    %dma_start3A_6 = tpu.memref_slice %arg3[%dma_start3A_4, %dma_start3A_5] : memref<32000x1024xf32, #tpu.memory_space<hbm>> -> memref<32000x1024xf32, #tpu.memory_space<hbm>>
    tpu.enqueue_indirect_dma source(%dma_start3A_6 : memref<32000x1024xf32, #tpu.memory_space<hbm>>) target(%arg6 : memref<32x1024xf32, #tpu.memory_space<vmem>>) offsets(%dma_start3A_3 : memref<32xi32, #tpu.memory_space<vmem>>) semaphore(%arg8 : memref<!tpu.dma_semaphore, #tpu.memory_space<semaphore_mem>>)
    %dma_start3A_7 = arith.constant 32 : i32
    %dma_start3A_8 = tpu.memref_slice %arg5[%dma_start3A_7] : memref<128xi32, #tpu.memory_space<vmem>> -> memref<32xi32, #tpu.memory_space<vmem>>
    %dma_start3A_9 = arith.constant 0 : i32
    %dma_start3A_10 = arith.constant 0 : i32
    %dma_start3A_11 = tpu.memref_slice %arg3[%dma_start3A_9, %dma_start3A_10] : memref<32000x1024xf32, #tpu.memory_space<hbm>> -> memref<32000x1024xf32, #tpu.memory_space<hbm>>
    tpu.enqueue_indirect_dma source(%dma_start3A_11 : memref<32000x1024xf32, #tpu.memory_space<hbm>>) target(%arg7 : memref<32x1024xf32, #tpu.memory_space<vmem>>) offsets(%dma_start3A_8 : memref<32xi32, #tpu.memory_space<vmem>>) semaphore(%arg9 : memref<!tpu.dma_semaphore, #tpu.memory_space<semaphore_mem>>)
    %dma_wait3A = arith.constant 0 : i32
    %dma_wait3A_12 = tpu.memref_slice %arg5[%dma_wait3A] : memref<128xi32, #tpu.memory_space<vmem>> -> memref<32xi32, #tpu.memory_space<vmem>>
    %dma_wait3A_13 = arith.constant 0 : i32
    %dma_wait3A_14 = arith.constant 0 : i32
    %dma_wait3A_15 = tpu.memref_slice %arg3[%dma_wait3A_13, %dma_wait3A_14] : memref<32000x1024xf32, #tpu.memory_space<hbm>> -> memref<32000x1024xf32, #tpu.memory_space<hbm>>
    tpu.wait_indirect_dma semaphore(%arg8 : memref<!tpu.dma_semaphore, #tpu.memory_space<semaphore_mem>>) src(%dma_wait3A_15 : memref<32000x1024xf32, #tpu.memory_space<hbm>>) dst(%arg6 : memref<32x1024xf32, #tpu.memory_space<vmem>>)
    %add3A_16 = arith.constant 0 : i32
    %add3A_17 = arith.addi %mul3A_2, %add3A_16 : i32
    %dma_start3A_18 = arith.constant 0 : i32
    %dma_start3A_19 = tpu.memref_slice %arg4[%add3A_17, %dma_start3A_18] : memref<4096x1024xf32, #tpu.memory_space<hbm>> -> memref<32x1024xf32, #tpu.memory_space<hbm>>
    %dma_start3A_20 = arith.constant 0 : i32
    %dma_start3A_21 = tpu.memref_slice %arg4[%add3A_17, %dma_start3A_20] : memref<4096x1024xf32, #tpu.memory_space<hbm>> -> memref<32x1024xf32, #tpu.memory_space<hbm>>
    tpu.enqueue_dma source(%arg6 : memref<32x1024xf32, #tpu.memory_space<vmem>>) target(%dma_start3A_21 : memref<32x1024xf32, #tpu.memory_space<hbm>>) target_semaphore(%arg10 : memref<!tpu.dma_semaphore, #tpu.memory_space<semaphore_mem>>)
    %dma_wait3A_22 = arith.constant 0 : i32
    %dma_wait3A_23 = tpu.memref_slice %arg4[%add3A_17, %dma_wait3A_22] : memref<4096x1024xf32, #tpu.memory_space<hbm>> -> memref<32x1024xf32, #tpu.memory_space<hbm>>
    %dma_wait3A_24 = arith.constant 0 : i32
    %dma_wait3A_25 = tpu.memref_slice %arg4[%add3A_17, %dma_wait3A_24] : memref<4096x1024xf32, #tpu.memory_space<hbm>> -> memref<32x1024xf32, #tpu.memory_space<hbm>>
    tpu.wait_dma2 semaphore(%arg10 : memref<!tpu.dma_semaphore, #tpu.memory_space<semaphore_mem>>) src(%arg6 : memref<32x1024xf32, #tpu.memory_space<vmem>>) dst(%dma_wait3A_25 : memref<32x1024xf32, #tpu.memory_space<hbm>>)
    %dma_start3A_26 = arith.constant 64 : i32
    %dma_start3A_27 = tpu.memref_slice %arg5[%dma_start3A_26] : memref<128xi32, #tpu.memory_space<vmem>> -> memref<32xi32, #tpu.memory_space<vmem>>
    %dma_start3A_28 = arith.constant 0 : i32
    %dma_start3A_29 = arith.constant 0 : i32
    %dma_start3A_30 = tpu.memref_slice %arg3[%dma_start3A_28, %dma_start3A_29] : memref<32000x1024xf32, #tpu.memory_space<hbm>> -> memref<32000x1024xf32, #tpu.memory_space<hbm>>
    tpu.enqueue_indirect_dma source(%dma_start3A_30 : memref<32000x1024xf32, #tpu.memory_space<hbm>>) target(%arg6 : memref<32x1024xf32, #tpu.memory_space<vmem>>) offsets(%dma_start3A_27 : memref<32xi32, #tpu.memory_space<vmem>>) semaphore(%arg8 : memref<!tpu.dma_semaphore, #tpu.memory_space<semaphore_mem>>)
    %dma_wait3A_31 = arith.constant 32 : i32
    %dma_wait3A_32 = tpu.memref_slice %arg5[%dma_wait3A_31] : memref<128xi32, #tpu.memory_space<vmem>> -> memref<32xi32, #tpu.memory_space<vmem>>
    %dma_wait3A_33 = arith.constant 0 : i32
    %dma_wait3A_34 = arith.constant 0 : i32
    %dma_wait3A_35 = tpu.memref_slice %arg3[%dma_wait3A_33, %dma_wait3A_34] : memref<32000x1024xf32, #tpu.memory_space<hbm>> -> memref<32000x1024xf32, #tpu.memory_space<hbm>>
    tpu.wait_indirect_dma semaphore(%arg9 : memref<!tpu.dma_semaphore, #tpu.memory_space<semaphore_mem>>) src(%dma_wait3A_35 : memref<32000x1024xf32, #tpu.memory_space<hbm>>) dst(%arg7 : memref<32x1024xf32, #tpu.memory_space<vmem>>)
    %add3A_36 = arith.constant 32 : i32
    %add3A_37 = arith.addi %mul3A_2, %add3A_36 : i32
    %dma_start3A_38 = arith.constant 0 : i32
    %dma_start3A_39 = tpu.memref_slice %arg4[%add3A_37, %dma_start3A_38] : memref<4096x1024xf32, #tpu.memory_space<hbm>> -> memref<32x1024xf32, #tpu.memory_space<hbm>>
    %dma_start3A_40 = arith.constant 0 : i32
    %dma_start3A_41 = tpu.memref_slice %arg4[%add3A_37, %dma_start3A_40] : memref<4096x1024xf32, #tpu.memory_space<hbm>> -> memref<32x1024xf32, #tpu.memory_space<hbm>>
    tpu.enqueue_dma source(%arg7 : memref<32x1024xf32, #tpu.memory_space<vmem>>) target(%dma_start3A_41 : memref<32x1024xf32, #tpu.memory_space<hbm>>) target_semaphore(%arg11 : memref<!tpu.dma_semaphore, #tpu.memory_space<semaphore_mem>>)
    %dma_wait3A_42 = arith.constant 0 : i32
    %dma_wait3A_43 = tpu.memref_slice %arg4[%add3A_37, %dma_wait3A_42] : memref<4096x1024xf32, #tpu.memory_space<hbm>> -> memref<32x1024xf32, #tpu.memory_space<hbm>>
    %dma_wait3A_44 = arith.constant 0 : i32
    %dma_wait3A_45 = tpu.memref_slice %arg4[%add3A_37, %dma_wait3A_44] : memref<4096x1024xf32, #tpu.memory_space<hbm>> -> memref<32x1024xf32, #tpu.memory_space<hbm>>
    tpu.wait_dma2 semaphore(%arg11 : memref<!tpu.dma_semaphore, #tpu.memory_space<semaphore_mem>>) src(%arg7 : memref<32x1024xf32, #tpu.memory_space<vmem>>) dst(%dma_wait3A_45 : memref<32x1024xf32, #tpu.memory_space<hbm>>)
    %dma_start3A_46 = arith.constant 96 : i32
    %dma_start3A_47 = tpu.memref_slice %arg5[%dma_start3A_46] : memref<128xi32, #tpu.memory_space<vmem>> -> memref<32xi32, #tpu.memory_space<vmem>>
    %dma_start3A_48 = arith.constant 0 : i32
    %dma_start3A_49 = arith.constant 0 : i32
    %dma_start3A_50 = tpu.memref_slice %arg3[%dma_start3A_48, %dma_start3A_49] : memref<32000x1024xf32, #tpu.memory_space<hbm>> -> memref<32000x1024xf32, #tpu.memory_space<hbm>>
    tpu.enqueue_indirect_dma source(%dma_start3A_50 : memref<32000x1024xf32, #tpu.memory_space<hbm>>) target(%arg7 : memref<32x1024xf32, #tpu.memory_space<vmem>>) offsets(%dma_start3A_47 : memref<32xi32, #tpu.memory_space<vmem>>) semaphore(%arg9 : memref<!tpu.dma_semaphore, #tpu.memory_space<semaphore_mem>>)
    %dma_wait3A_51 = arith.constant 64 : i32
    %dma_wait3A_52 = tpu.memref_slice %arg5[%dma_wait3A_51] : memref<128xi32, #tpu.memory_space<vmem>> -> memref<32xi32, #tpu.memory_space<vmem>>
    %dma_wait3A_53 = arith.constant 0 : i32
    %dma_wait3A_54 = arith.constant 0 : i32
    %dma_wait3A_55 = tpu.memref_slice %arg3[%dma_wait3A_53, %dma_wait3A_54] : memref<32000x1024xf32, #tpu.memory_space<hbm>> -> memref<32000x1024xf32, #tpu.memory_space<hbm>>
    tpu.wait_indirect_dma semaphore(%arg8 : memref<!tpu.dma_semaphore, #tpu.memory_space<semaphore_mem>>) src(%dma_wait3A_55 : memref<32000x1024xf32, #tpu.memory_space<hbm>>) dst(%arg6 : memref<32x1024xf32, #tpu.memory_space<vmem>>)
    %add3A_56 = arith.constant 64 : i32
    %add3A_57 = arith.addi %mul3A_2, %add3A_56 : i32
    %dma_start3A_58 = arith.constant 0 : i32
    %dma_start3A_59 = tpu.memref_slice %arg4[%add3A_57, %dma_start3A_58] : memref<4096x1024xf32, #tpu.memory_space<hbm>> -> memref<32x1024xf32, #tpu.memory_space<hbm>>
    %dma_start3A_60 = arith.constant 0 : i32
    %dma_start3A_61 = tpu.memref_slice %arg4[%add3A_57, %dma_start3A_60] : memref<4096x1024xf32, #tpu.memory_space<hbm>> -> memref<32x1024xf32, #tpu.memory_space<hbm>>
    tpu.enqueue_dma source(%arg6 : memref<32x1024xf32, #tpu.memory_space<vmem>>) target(%dma_start3A_61 : memref<32x1024xf32, #tpu.memory_space<hbm>>) target_semaphore(%arg10 : memref<!tpu.dma_semaphore, #tpu.memory_space<semaphore_mem>>)
    %dma_wait3A_62 = arith.constant 96 : i32
    %dma_wait3A_63 = tpu.memref_slice %arg5[%dma_wait3A_62] : memref<128xi32, #tpu.memory_space<vmem>> -> memref<32xi32, #tpu.memory_space<vmem>>
    %dma_wait3A_64 = arith.constant 0 : i32
    %dma_wait3A_65 = arith.constant 0 : i32
    %dma_wait3A_66 = tpu.memref_slice %arg3[%dma_wait3A_64, %dma_wait3A_65] : memref<32000x1024xf32, #tpu.memory_space<hbm>> -> memref<32000x1024xf32, #tpu.memory_space<hbm>>
    tpu.wait_indirect_dma semaphore(%arg9 : memref<!tpu.dma_semaphore, #tpu.memory_space<semaphore_mem>>) src(%dma_wait3A_66 : memref<32000x1024xf32, #tpu.memory_space<hbm>>) dst(%arg7 : memref<32x1024xf32, #tpu.memory_space<vmem>>)
    %add3A_67 = arith.constant 96 : i32
    %add3A_68 = arith.addi %mul3A_2, %add3A_67 : i32
    %dma_start3A_69 = arith.constant 0 : i32
    %dma_start3A_70 = tpu.memref_slice %arg4[%add3A_68, %dma_start3A_69] : memref<4096x1024xf32, #tpu.memory_space<hbm>> -> memref<32x1024xf32, #tpu.memory_space<hbm>>
    %dma_start3A_71 = arith.constant 0 : i32
    %dma_start3A_72 = tpu.memref_slice %arg4[%add3A_68, %dma_start3A_71] : memref<4096x1024xf32, #tpu.memory_space<hbm>> -> memref<32x1024xf32, #tpu.memory_space<hbm>>
    tpu.enqueue_dma source(%arg7 : memref<32x1024xf32, #tpu.memory_space<vmem>>) target(%dma_start3A_72 : memref<32x1024xf32, #tpu.memory_space<hbm>>) target_semaphore(%arg11 : memref<!tpu.dma_semaphore, #tpu.memory_space<semaphore_mem>>)
    %dma_wait3A_73 = arith.constant 0 : i32
    %dma_wait3A_74 = tpu.memref_slice %arg4[%add3A_57, %dma_wait3A_73] : memref<4096x1024xf32, #tpu.memory_space<hbm>> -> memref<32x1024xf32, #tpu.memory_space<hbm>>
    %dma_wait3A_75 = arith.constant 0 : i32
    %dma_wait3A_76 = tpu.memref_slice %arg4[%add3A_57, %dma_wait3A_75] : memref<4096x1024xf32, #tpu.memory_space<hbm>> -> memref<32x1024xf32, #tpu.memory_space<hbm>>
    tpu.wait_dma2 semaphore(%arg10 : memref<!tpu.dma_semaphore, #tpu.memory_space<semaphore_mem>>) src(%arg6 : memref<32x1024xf32, #tpu.memory_space<vmem>>) dst(%dma_wait3A_76 : memref<32x1024xf32, #tpu.memory_space<hbm>>)
    %dma_wait3A_77 = arith.constant 0 : i32
    %dma_wait3A_78 = tpu.memref_slice %arg4[%add3A_68, %dma_wait3A_77] : memref<4096x1024xf32, #tpu.memory_space<hbm>> -> memref<32x1024xf32, #tpu.memory_space<hbm>>
    %dma_wait3A_79 = arith.constant 0 : i32
    %dma_wait3A_80 = tpu.memref_slice %arg4[%add3A_68, %dma_wait3A_79] : memref<4096x1024xf32, #tpu.memory_space<hbm>> -> memref<32x1024xf32, #tpu.memory_space<hbm>>
    tpu.wait_dma2 semaphore(%arg11 : memref<!tpu.dma_semaphore, #tpu.memory_space<semaphore_mem>>) src(%arg7 : memref<32x1024xf32, #tpu.memory_space<vmem>>) dst(%dma_wait3A_80 : memref<32x1024xf32, #tpu.memory_space<hbm>>)
    return
  }
}

module attributes {stable_mosaic.version = 14 : i64} {
  func.func @mm_kernel(%arg0: i32, %arg1: memref<4096x1024xbf16, #tpu.memory_space<vmem>>, %arg2: memref<1024x1280xf32, #tpu.memory_space<vmem>>, %arg3: memref<1x1280xf32, #tpu.memory_space<vmem>>, %arg4: memref<4096x1280xf32, #tpu.memory_space<vmem>>) attributes {dimension_semantics = [#tpu.dimension_semantics<arbitrary>], iteration_bounds = array<i64: 25>, scalar_prefetch = 0 : i64, scratch_operands = 0 : i64, tpu.core_type = #tpu.core_type<tc>, window_params = [{pipeline_mode = #tpu.pipeline_mode<synchronous>, transform_indices = @transform_0, window_bounds = array<i64: 4096, 1024>}, {transform_indices = @transform_1, window_bounds = array<i64: 1024, 1280>}, {transform_indices = @transform_2, window_bounds = array<i64: 1, 1280>}, {transform_indices = @transform_3, window_bounds = array<i64: 4096, 1280>}]} {
    %get3A = arith.constant 0 : index
    %get3A_0 = arith.constant 0 : index
    %get3A_1 = vector.load %arg2[%get3A, %get3A_0] : memref<1024x1280xf32, #tpu.memory_space<vmem>>, vector<1024x1280xf32>
    %convert_element_type3A = arith.truncf %get3A_1 : vector<1024x1280xf32> to vector<1024x1280xbf16>
    %get3A_2 = arith.constant 0 : index
    %get3A_3 = arith.constant 0 : index
    %get3A_4 = vector.load %arg1[%get3A_2, %get3A_3] : memref<4096x1024xbf16, #tpu.memory_space<vmem>>, vector<512x1024xbf16>
    %dot_general3A = arith.constant dense<0.000000e+00> : vector<512x1280xf32>
    %dot_general3A_5 = tpu.matmul %get3A_4, %convert_element_type3A, %dot_general3A {dimension_numbers = #tpu.dot_dimension_numbers<[1], [0], [0], [1], [0, 0, 1, 1], [], []>, transpose_lhs_hint = false} : vector<512x1024xbf16>, vector<1024x1280xbf16>, vector<512x1280xf32> -> vector<512x1280xf32>
    %get3A_6 = arith.constant 0 : index
    %get3A_7 = arith.constant 0 : index
    %get3A_8 = vector.load %arg3[%get3A_6, %get3A_7] : memref<1x1280xf32, #tpu.memory_space<vmem>>, vector<1x1280xf32>
    %add3A = vector.broadcast %get3A_8 : vector<1x1280xf32> to vector<512x1280xf32>
    %add3A_9 = arith.addf %dot_general3A_5, %add3A : vector<512x1280xf32>
    %swap3A = arith.constant 0 : index
    %swap3A_10 = arith.constant 0 : index
    %swap3A_11 = vector.load %arg4[%swap3A, %swap3A_10] : memref<4096x1280xf32, #tpu.memory_space<vmem>>, vector<512x1280xf32>
    tpu.vector_store %arg4[%swap3A, %swap3A_10], %add3A_9 {strides = array<i32>} : memref<4096x1280xf32, #tpu.memory_space<vmem>>, vector<512x1280xf32>,
    %get3A_12 = arith.constant 512 : index
    %get3A_13 = arith.constant 0 : index
    %get3A_14 = vector.load %arg1[%get3A_12, %get3A_13] : memref<4096x1024xbf16, #tpu.memory_space<vmem>>, vector<512x1024xbf16>
    %dot_general3A_15 = arith.constant dense<0.000000e+00> : vector<512x1280xf32>
    %dot_general3A_16 = tpu.matmul %get3A_14, %convert_element_type3A, %dot_general3A_15 {dimension_numbers = #tpu.dot_dimension_numbers<[1], [0], [0], [1], [0, 0, 1, 1], [], []>, transpose_lhs_hint = false} : vector<512x1024xbf16>, vector<1024x1280xbf16>, vector<512x1280xf32> -> vector<512x1280xf32>
    %get3A_17 = arith.constant 0 : index
    %get3A_18 = arith.constant 0 : index
    %get3A_19 = vector.load %arg3[%get3A_17, %get3A_18] : memref<1x1280xf32, #tpu.memory_space<vmem>>, vector<1x1280xf32>
    %add3A_20 = vector.broadcast %get3A_19 : vector<1x1280xf32> to vector<512x1280xf32>
    %add3A_21 = arith.addf %dot_general3A_16, %add3A_20 : vector<512x1280xf32>
    %swap3A_22 = arith.constant 512 : index
    %swap3A_23 = arith.constant 0 : index
    %swap3A_24 = vector.load %arg4[%swap3A_22, %swap3A_23] : memref<4096x1280xf32, #tpu.memory_space<vmem>>, vector<512x1280xf32>
    tpu.vector_store %arg4[%swap3A_22, %swap3A_23], %add3A_21 {strides = array<i32>} : memref<4096x1280xf32, #tpu.memory_space<vmem>>, vector<512x1280xf32>,
    %get3A_25 = arith.constant 1024 : index
    %get3A_26 = arith.constant 0 : index
    %get3A_27 = vector.load %arg1[%get3A_25, %get3A_26] : memref<4096x1024xbf16, #tpu.memory_space<vmem>>, vector<512x1024xbf16>
    %dot_general3A_28 = arith.constant dense<0.000000e+00> : vector<512x1280xf32>
    %dot_general3A_29 = tpu.matmul %get3A_27, %convert_element_type3A, %dot_general3A_28 {dimension_numbers = #tpu.dot_dimension_numbers<[1], [0], [0], [1], [0, 0, 1, 1], [], []>, transpose_lhs_hint = false} : vector<512x1024xbf16>, vector<1024x1280xbf16>, vector<512x1280xf32> -> vector<512x1280xf32>
    %get3A_30 = arith.constant 0 : index
    %get3A_31 = arith.constant 0 : index
    %get3A_32 = vector.load %arg3[%get3A_30, %get3A_31] : memref<1x1280xf32, #tpu.memory_space<vmem>>, vector<1x1280xf32>
    %add3A_33 = vector.broadcast %get3A_32 : vector<1x1280xf32> to vector<512x1280xf32>
    %add3A_34 = arith.addf %dot_general3A_29, %add3A_33 : vector<512x1280xf32>
    %swap3A_35 = arith.constant 1024 : index
    %swap3A_36 = arith.constant 0 : index
    %swap3A_37 = vector.load %arg4[%swap3A_35, %swap3A_36] : memref<4096x1280xf32, #tpu.memory_space<vmem>>, vector<512x1280xf32>
    tpu.vector_store %arg4[%swap3A_35, %swap3A_36], %add3A_34 {strides = array<i32>} : memref<4096x1280xf32, #tpu.memory_space<vmem>>, vector<512x1280xf32>,
    %get3A_38 = arith.constant 1536 : index
    %get3A_39 = arith.constant 0 : index
    %get3A_40 = vector.load %arg1[%get3A_38, %get3A_39] : memref<4096x1024xbf16, #tpu.memory_space<vmem>>, vector<512x1024xbf16>
    %dot_general3A_41 = arith.constant dense<0.000000e+00> : vector<512x1280xf32>
    %dot_general3A_42 = tpu.matmul %get3A_40, %convert_element_type3A, %dot_general3A_41 {dimension_numbers = #tpu.dot_dimension_numbers<[1], [0], [0], [1], [0, 0, 1, 1], [], []>, transpose_lhs_hint = false} : vector<512x1024xbf16>, vector<1024x1280xbf16>, vector<512x1280xf32> -> vector<512x1280xf32>
    %get3A_43 = arith.constant 0 : index
    %get3A_44 = arith.constant 0 : index
    %get3A_45 = vector.load %arg3[%get3A_43, %get3A_44] : memref<1x1280xf32, #tpu.memory_space<vmem>>, vector<1x1280xf32>
    %add3A_46 = vector.broadcast %get3A_45 : vector<1x1280xf32> to vector<512x1280xf32>
    %add3A_47 = arith.addf %dot_general3A_42, %add3A_46 : vector<512x1280xf32>
    %swap3A_48 = arith.constant 1536 : index
    %swap3A_49 = arith.constant 0 : index
    %swap3A_50 = vector.load %arg4[%swap3A_48, %swap3A_49] : memref<4096x1280xf32, #tpu.memory_space<vmem>>, vector<512x1280xf32>
    tpu.vector_store %arg4[%swap3A_48, %swap3A_49], %add3A_47 {strides = array<i32>} : memref<4096x1280xf32, #tpu.memory_space<vmem>>, vector<512x1280xf32>,
    %get3A_51 = arith.constant 2048 : index
    %get3A_52 = arith.constant 0 : index
    %get3A_53 = vector.load %arg1[%get3A_51, %get3A_52] : memref<4096x1024xbf16, #tpu.memory_space<vmem>>, vector<512x1024xbf16>
    %dot_general3A_54 = arith.constant dense<0.000000e+00> : vector<512x1280xf32>
    %dot_general3A_55 = tpu.matmul %get3A_53, %convert_element_type3A, %dot_general3A_54 {dimension_numbers = #tpu.dot_dimension_numbers<[1], [0], [0], [1], [0, 0, 1, 1], [], []>, transpose_lhs_hint = false} : vector<512x1024xbf16>, vector<1024x1280xbf16>, vector<512x1280xf32> -> vector<512x1280xf32>
    %get3A_56 = arith.constant 0 : index
    %get3A_57 = arith.constant 0 : index
    %get3A_58 = vector.load %arg3[%get3A_56, %get3A_57] : memref<1x1280xf32, #tpu.memory_space<vmem>>, vector<1x1280xf32>
    %add3A_59 = vector.broadcast %get3A_58 : vector<1x1280xf32> to vector<512x1280xf32>
    %add3A_60 = arith.addf %dot_general3A_55, %add3A_59 : vector<512x1280xf32>
    %swap3A_61 = arith.constant 2048 : index
    %swap3A_62 = arith.constant 0 : index
    %swap3A_63 = vector.load %arg4[%swap3A_61, %swap3A_62] : memref<4096x1280xf32, #tpu.memory_space<vmem>>, vector<512x1280xf32>
    tpu.vector_store %arg4[%swap3A_61, %swap3A_62], %add3A_60 {strides = array<i32>} : memref<4096x1280xf32, #tpu.memory_space<vmem>>, vector<512x1280xf32>,
    %get3A_64 = arith.constant 2560 : index
    %get3A_65 = arith.constant 0 : index
    %get3A_66 = vector.load %arg1[%get3A_64, %get3A_65] : memref<4096x1024xbf16, #tpu.memory_space<vmem>>, vector<512x1024xbf16>
    %dot_general3A_67 = arith.constant dense<0.000000e+00> : vector<512x1280xf32>
    %dot_general3A_68 = tpu.matmul %get3A_66, %convert_element_type3A, %dot_general3A_67 {dimension_numbers = #tpu.dot_dimension_numbers<[1], [0], [0], [1], [0, 0, 1, 1], [], []>, transpose_lhs_hint = false} : vector<512x1024xbf16>, vector<1024x1280xbf16>, vector<512x1280xf32> -> vector<512x1280xf32>
    %get3A_69 = arith.constant 0 : index
    %get3A_70 = arith.constant 0 : index
    %get3A_71 = vector.load %arg3[%get3A_69, %get3A_70] : memref<1x1280xf32, #tpu.memory_space<vmem>>, vector<1x1280xf32>
    %add3A_72 = vector.broadcast %get3A_71 : vector<1x1280xf32> to vector<512x1280xf32>
    %add3A_73 = arith.addf %dot_general3A_68, %add3A_72 : vector<512x1280xf32>
    %swap3A_74 = arith.constant 2560 : index
    %swap3A_75 = arith.constant 0 : index
    %swap3A_76 = vector.load %arg4[%swap3A_74, %swap3A_75] : memref<4096x1280xf32, #tpu.memory_space<vmem>>, vector<512x1280xf32>
    tpu.vector_store %arg4[%swap3A_74, %swap3A_75], %add3A_73 {strides = array<i32>} : memref<4096x1280xf32, #tpu.memory_space<vmem>>, vector<512x1280xf32>,
    %get3A_77 = arith.constant 3072 : index
    %get3A_78 = arith.constant 0 : index
    %get3A_79 = vector.load %arg1[%get3A_77, %get3A_78] : memref<4096x1024xbf16, #tpu.memory_space<vmem>>, vector<512x1024xbf16>
    %dot_general3A_80 = arith.constant dense<0.000000e+00> : vector<512x1280xf32>
    %dot_general3A_81 = tpu.matmul %get3A_79, %convert_element_type3A, %dot_general3A_80 {dimension_numbers = #tpu.dot_dimension_numbers<[1], [0], [0], [1], [0, 0, 1, 1], [], []>, transpose_lhs_hint = false} : vector<512x1024xbf16>, vector<1024x1280xbf16>, vector<512x1280xf32> -> vector<512x1280xf32>
    %get3A_82 = arith.constant 0 : index
    %get3A_83 = arith.constant 0 : index
    %get3A_84 = vector.load %arg3[%get3A_82, %get3A_83] : memref<1x1280xf32, #tpu.memory_space<vmem>>, vector<1x1280xf32>
    %add3A_85 = vector.broadcast %get3A_84 : vector<1x1280xf32> to vector<512x1280xf32>
    %add3A_86 = arith.addf %dot_general3A_81, %add3A_85 : vector<512x1280xf32>
    %swap3A_87 = arith.constant 3072 : index
    %swap3A_88 = arith.constant 0 : index
    %swap3A_89 = vector.load %arg4[%swap3A_87, %swap3A_88] : memref<4096x1280xf32, #tpu.memory_space<vmem>>, vector<512x1280xf32>
    tpu.vector_store %arg4[%swap3A_87, %swap3A_88], %add3A_86 {strides = array<i32>} : memref<4096x1280xf32, #tpu.memory_space<vmem>>, vector<512x1280xf32>,
    %get3A_90 = arith.constant 3584 : index
    %get3A_91 = arith.constant 0 : index
    %get3A_92 = vector.load %arg1[%get3A_90, %get3A_91] : memref<4096x1024xbf16, #tpu.memory_space<vmem>>, vector<512x1024xbf16>
    %dot_general3A_93 = arith.constant dense<0.000000e+00> : vector<512x1280xf32>
    %dot_general3A_94 = tpu.matmul %get3A_92, %convert_element_type3A, %dot_general3A_93 {dimension_numbers = #tpu.dot_dimension_numbers<[1], [0], [0], [1], [0, 0, 1, 1], [], []>, transpose_lhs_hint = false} : vector<512x1024xbf16>, vector<1024x1280xbf16>, vector<512x1280xf32> -> vector<512x1280xf32>
    %get3A_95 = arith.constant 0 : index
    %get3A_96 = arith.constant 0 : index
    %get3A_97 = vector.load %arg3[%get3A_95, %get3A_96] : memref<1x1280xf32, #tpu.memory_space<vmem>>, vector<1x1280xf32>
    %add3A_98 = vector.broadcast %get3A_97 : vector<1x1280xf32> to vector<512x1280xf32>
    %add3A_99 = arith.addf %dot_general3A_94, %add3A_98 : vector<512x1280xf32>
    %swap3A_100 = arith.constant 3584 : index
    %swap3A_101 = arith.constant 0 : index
    %swap3A_102 = vector.load %arg4[%swap3A_100, %swap3A_101] : memref<4096x1280xf32, #tpu.memory_space<vmem>>, vector<512x1280xf32>
    tpu.vector_store %arg4[%swap3A_100, %swap3A_101], %add3A_99 {strides = array<i32>} : memref<4096x1280xf32, #tpu.memory_space<vmem>>, vector<512x1280xf32>,
    return
  }
  func.func @transform_0(%arg0: i32) -> (i32, i32) {
    %c0_i32 = arith.constant 0 : i32
    %c0_i32_0 = arith.constant 0 : i32
    %c0_i32_1 = arith.constant 0 : i32
    return %c0_i32, %c0_i32_0 : i32, i32
  }
  func.func @transform_1(%arg0: i32) -> (i32, i32) {
    %c0_i32 = arith.constant 0 : i32
    %c0_i32_0 = arith.constant 0 : i32
    return %c0_i32, %arg0 : i32, i32
  }
  func.func @transform_2(%arg0: i32) -> (i32, i32) {
    %c0_i32 = arith.constant 0 : i32
    %c0_i32_0 = arith.constant 0 : i32
    return %c0_i32, %arg0 : i32, i32
  }
  func.func @transform_3(%arg0: i32) -> (i32, i32) {
    %c0_i32 = arith.constant 0 : i32
    %c0_i32_0 = arith.constant 0 : i32
    return %c0_i32, %arg0 : i32, i32
  }
}

module attributes {stable_mosaic.version = 14 : i64} {
  func.func @ac_kernel(%arg0: i32, %arg1: memref<512x1024xf32, #tpu.memory_space<vmem>>, %arg2: memref<512x1024xf32, #tpu.memory_space<vmem>>, %arg3: memref<512x1024xbf16, #tpu.memory_space<vmem>>) attributes {dimension_semantics = [#tpu.dimension_semantics<arbitrary>], iteration_bounds = array<i64: 8>, scalar_prefetch = 0 : i64, scratch_operands = 0 : i64, tpu.core_type = #tpu.core_type<tc>, window_params = [{transform_indices = @transform_0, window_bounds = array<i64: 512, 1024>}, {transform_indices = @transform_1, window_bounds = array<i64: 512, 1024>}, {transform_indices = @transform_2, window_bounds = array<i64: 512, 1024>}]} {
    %get3A = arith.constant 0 : index
    %get3A_0 = arith.constant 0 : index
    %get3A_1 = vector.load %arg1[%get3A, %get3A_0] : memref<512x1024xf32, #tpu.memory_space<vmem>>, vector<512x1024xf32>
    %get3A_2 = arith.constant 0 : index
    %get3A_3 = arith.constant 0 : index
    %get3A_4 = vector.load %arg2[%get3A_2, %get3A_3] : memref<512x1024xf32, #tpu.memory_space<vmem>>, vector<512x1024xf32>
    %add3A = arith.addf %get3A_1, %get3A_4 : vector<512x1024xf32>
    %convert_element_type3A = arith.truncf %add3A : vector<512x1024xf32> to vector<512x1024xbf16>
    %swap3A = arith.constant 0 : index
    %swap3A_5 = arith.constant 0 : index
    %swap3A_6 = vector.load %arg3[%swap3A, %swap3A_5] : memref<512x1024xbf16, #tpu.memory_space<vmem>>, vector<512x1024xbf16>
    tpu.vector_store %arg3[%swap3A, %swap3A_5], %convert_element_type3A {strides = array<i32>} : memref<512x1024xbf16, #tpu.memory_space<vmem>>, vector<512x1024xbf16>,
    return
  }
  func.func @transform_0(%arg0: i32) -> (i32, i32) {
    %c0_i32 = arith.constant 0 : i32
    %c0_i32_0 = arith.constant 0 : i32
    return %arg0, %c0_i32 : i32, i32
  }
  func.func @transform_1(%arg0: i32) -> (i32, i32) {
    %jit3A = arith.constant 4 : i32
    %eq3A = arith.constant 0 : i32
    %eq3A_0 = arith.cmpi eq, %jit3A, %eq3A : i32
    %jit3A_1 = arith.constant 1 : i32
    %select_n3A = arith.select %eq3A_0, %jit3A_1, %jit3A : i32
    %rem3A = arith.remsi %arg0, %select_n3A : i32
    %ne3A = arith.constant 0 : i32
    %ne3A_2 = arith.cmpi ne, %rem3A, %ne3A : i32
    %lt3A = arith.constant 0 : i32
    %lt3A_3 = arith.cmpi slt, %rem3A, %lt3A : i32
    %lt3A_4 = arith.constant 0 : i32
    %lt3A_5 = arith.cmpi slt, %select_n3A, %lt3A_4 : i32
    %ne3A_6 = arith.xori %lt3A_3, %lt3A_5 : i1
    %and3A = arith.andi %ne3A_6, %ne3A_2 : i1
    %add3A = arith.addi %rem3A, %select_n3A : i32
    %select_n3A_7 = arith.select %and3A, %add3A, %rem3A : i32
    %c0_i32 = arith.constant 0 : i32
    %c0_i32_8 = arith.constant 0 : i32
    return %select_n3A_7, %c0_i32 : i32, i32
  }
  func.func @transform_2(%arg0: i32) -> (i32, i32) {
    %c0_i32 = arith.constant 0 : i32
    %c0_i32_0 = arith.constant 0 : i32
    return %arg0, %c0_i32 : i32, i32
  }
}

</mosaic_0001>

<sc_bundles>
// kernel: kernel.5.cloned.1.call-start
scs
__scs_entry_jumppad:
0x0: {  	(pc) =	sbr.rel $0x88, $3  }
0x1: {  	(tag) =	ssettag $0x0;
	lr =	simm.s32 $0x1  }
0x2: {  	[smem:$0x3F9C] =	sst lr;
	_ =	strace $0xD0000000  }
0x3: {  	_ = 	snop  }
0x4: {  	_ = 	snop  }
0x5: {  	_ = 	snop  }
0x6: {  	_ = 	snop  }
0x7: {  	_ = 	snop  }
__scs_overlays_trampoline_lowered:
0x8: {  	[smem:$0x3FAB] =	sst s0  }
0x9: {  	[smem:$0x3FAC] =	sst s1  }
0xa: {  	[smem:$0x3FAD] =	sst s2  }
0xb: {  	[smem:$0x3FAE] =	sst s3  }
0xc: {  	[smem:$0x3FAF] =	sst s4  }
0xd: {  	[smem:$0x3FB0] =	sst s5  }
0xe: {  	[smem:$0x3FB1] =	sst s6  }
0xf: {  	[smem:$0x3FB2] =	sst s7  }
0x10: {  	[smem:$0x3FB3] =	sst s8  }
0x11: {  	[smem:$0x3FB4] =	sst s9;
	s0 =	simm.s32 @!p0 $0x0  }
0x12: {  	s1 =	sld [smem:$0x3F9A];
	s0 =	simm.s32 @p0 $0x1  }
0x13: {  	[smem:$0x3FB5] =	sst s0;
	s0 =	simm.s32 @!p1 $0x0  }
0x14: {  	s2 =	sld [smem:$0x3F99];
	s0 =	simm.s32 @p1 $0x1  }
0x15: {  	[smem:$0x3FB6] =	sst s0;
	s0 =	simm.s32 @!p2 $0x0  }
0x16: {  	s3 =	sld [smem:$0x3FDB];
	s0 =	simm.s32 @p2 $0x1  }
0x17: {  	s4 =	simm.s32 $0x1BF5;
	[smem:$0x3FB8] =	sst s0  }
0x18: {  	s0 =	sld [smem:$0x3F9B];
	_ =	swait.ge [sflag:s4], $0x0  }
0x19: {  	s7 =	sld [smem:$0x3F9C]  }
0x1a: {  	s8 =	sadd.s32 $0xFFFFE003, lr  }
0x1b: {  	s9 =	sadd.s32 $0xFFFFFEF7, lr;
	s5 =	simm.s32 $0xFFFFFFFF;
	p2 =	slt.u32 s8, $0xFFFFF086  }
0x1c: {  	p1 =	slt.u32 s9, $0xF7A;
	s5 =	simm.s32 @!p2 $0x0  }
0x1d: {  	s5 =	simm.s32 @p1 $0x1;
	p0 =	seq.s32 s7, s2  }
0x1e: {  	s7 =	smul.u32 @!p0 $0xF7A, s2;
	p2 =	seq.s32 @!p0 s5, $0x0  }
0x1f: {  	s9 =	smul.u32 $0xF7A, s1;
	s8 =	simm.s32 @!p0 $0x1BF5;
	p2 =	por !p2, p0  }
0x20: {  	[sflag:s8] =	ssyncset.s32 @!p0 $0xFFFFF086;
	s6 =	sadd.s32 @!p0 s3, s7;
	s7 =	simm.s32 @!p0 $0x108  }
0x21: {  	s3 =	sadd.s32 s3, s9;
	s6 =	sadd.s32 @!p0 $0x88, s6;
	s7 =	simm.s32 @p2 $0x1082  }
0x22: {  	[simem:s7], [sflag:s8] =	dma.local @!p0 [hbm:s6], $0xF7A  }
0x23: {  	s9 =	sor.u32 $0xD0000000, s2;
	s6 =	simm.s32 $0x108;
	_ =	swait.ge @!p0 [sflag:s8], $0x0  }
0x24: {  	s3 =	sadd.s32 $0x88, s3;
	s6 =	simm.s32 @!p1 $0x1082;
	[sflag:s4] =	ssyncset.s32 $0xFFFFF086  }
0x25: {  	[simem:s6], [sflag:s4] =	dma.local [hbm:s3], $0xF7A  }
0x26: {  	[smem:$0x3F9C] =	sst s1;
	(tag) =	ssettag s2;
	_ =	strace s9  }
0x27: {  	s1 =	sld [smem:$0x3FAC]  }
0x28: {  	s2 =	sld [smem:$0x3FAD]  }
0x29: {  	s4 =	sld [smem:$0x3FAF]  }
0x2a: {  	p0 =	seq.s32 s5, $0x0;
	s5 =	sld [smem:$0x3FB0]  }
0x2b: {  	s6 =	sld [smem:$0x3FB1]  }
0x2c: {  	s7 =	sld [smem:$0x3FB2]  }
0x2d: {  	s3 =	simm.s32 $0x108;
	s8 =	sld [smem:$0x3FB3]  }
0x2e: {  	s3 =	simm.s32 @!p0 $0x1082;
	s9 =	sld [smem:$0x3FB4]  }
0x2f: {  	lr =	sadd.s32 s0, s3;
	s0 =	sld [smem:$0x3FAB]  }
0x30: {  	s3 =	sld [smem:$0x3FAE]  }
0x31: {  	[smem:$0x3FB7] =	sst s10  }
0x32: {  	s10 =	sld [smem:$0x3FB5];
	_ =	sdelay $0x3  }
0x33: {  	p0 =	seq.s32 s10, $0x1;
	s10 =	sld [smem:$0x3FB7];
	_ =	sdelay $0x3  }
0x34: {  	[smem:$0x3FB7] =	sst s10  }
0x35: {  	s10 =	sld [smem:$0x3FB6];
	_ =	sdelay $0x3  }
0x36: {  	p1 =	seq.s32 s10, $0x1;
	s10 =	sld [smem:$0x3FB7];
	_ =	sdelay $0x3  }
0x37: {  	[smem:$0x3FB7] =	sst s10  }
0x38: {  	s10 =	sld [smem:$0x3FB8]  }
0x39: {  	_ = 	snop;
	(pc) =	sbr.ind lr, $3  }
0x3a: {  	_ = 	snop  }
0x3b: {  	_ = 	snop  }
0x3c: {  	p2 =	seq.s32 s10, $0x1;
	s10 =	sld [smem:$0x3FB7]  }
0x3d: {  	_ =	shalt  }
0x3e: {  	_ =	shalt  }
0x3f: {  	_ =	shalt  }
0x40: {  	_ =	shalt  }
0x41: {  	_ =	shalt  }
0x42: {  	_ =	shalt  }
0x43: {  	_ =	shalt  }
0x44: {  	_ =	shalt  }
0x45: {  	_ =	shalt  }
0x46: {  	_ =	shalt  }
0x47: {  	_ =	shalt  }
0x48: {  	_ =	shalt  }
0x49: {  	_ =	shalt  }
0x4a: {  	_ =	shalt  }
0x4b: {  	_ =	shalt  }
0x4c: {  	_ =	shalt  }
0x4d: {  	_ =	shalt  }
0x4e: {  	_ =	shalt  }
0x4f: {  	_ =	shalt  }
0x50: {  	_ =	shalt  }
0x51: {  	_ =	shalt  }
0x52: {  	_ =	shalt  }
0x53: {  	_ =	shalt  }
0x54: {  	_ =	shalt  }
0x55: {  	_ =	shalt  }
0x56: {  	_ =	shalt  }
0x57: {  	_ =	shalt  }
0x58: {  	_ =	shalt  }
0x59: {  	_ =	shalt  }
0x5a: {  	_ =	shalt  }
0x5b: {  	_ =	shalt  }
0x5c: {  	_ =	shalt  }
0x5d: {  	_ =	shalt  }
0x5e: {  	_ =	shalt  }
0x5f: {  	_ =	shalt  }
0x60: {  	_ =	shalt  }
0x61: {  	_ =	shalt  }
0x62: {  	_ =	shalt  }
0x63: {  	_ =	shalt  }
0x64: {  	_ =	shalt  }
0x65: {  	_ =	shalt  }
0x66: {  	_ =	shalt  }
0x67: {  	_ =	shalt  }
0x68: {  	_ =	shalt  }
0x69: {  	_ =	shalt  }
0x6a: {  	_ =	shalt  }
0x6b: {  	_ =	shalt  }
0x6c: {  	_ =	shalt  }
0x6d: {  	_ =	shalt  }
0x6e: {  	_ =	shalt  }
0x6f: {  	_ =	shalt  }
0x70: {  	_ =	shalt  }
0x71: {  	_ =	shalt  }
0x72: {  	_ =	shalt  }
0x73: {  	_ =	shalt  }
0x74: {  	_ =	shalt  }
0x75: {  	_ =	shalt  }
0x76: {  	_ =	shalt  }
0x77: {  	_ =	shalt  }
0x78: {  	_ =	shalt  }
0x79: {  	_ =	shalt  }
0x7a: {  	_ =	shalt  }
0x7b: {  	_ =	shalt  }
0x7c: {  	_ =	shalt  }
0x7d: {  	_ =	shalt  }
0x7e: {  	_ =	shalt  }
0x7f: {  	_ =	shalt  }
0x80: {  	_ =	shalt  }
0x81: {  	_ =	shalt  }
0x82: {  	_ =	shalt  }
0x83: {  	_ =	shalt  }
0x84: {  	_ =	shalt  }
0x85: {  	_ =	shalt  }
0x86: {  	_ =	shalt  }
0x87: {  	_ =	shalt  }
.Lfunc_end0:
.L_simem_size_0:
called_computation_lowered:
.L_overlay_start_0:
0x88: {  	s2 =	sld [smem:$0x3FD9]  }
0x89: {  	s3 =	sld [smem:$0x3FFE];
	_ =	sdelay $0x1  }
0x8a: {  	s1 =	srdreg.scid  }
0x8b: {  	s0 =	sand.u32 $0x1, s1  }
0x8c: {  	s17 =	sshll.u32 s0, $0xA;
	s2 =	sadd.s32 s3, s2  }
0x8d: {  	s2 =	sadd.s32 s2, s17  }
0x8e: {  	[smem:$0x3FC3] =	sst s2  }
0x8f: {  	_ = 	snop  }
0x90: {  	s2 =	sld [smem:$0x3FC8]  }
0x91: {  	s18 =	sld [smem:$0x3FD0];
	(tm) =	ssettm $0x1  }
0x92: {  	s4 =	sld [smem:$0x3FFB];
	_ =	sdelay $0x3  }
0x93: {  	_ =	strace s4  }
0x94: {  	s4 =	sld [smem:$0x3FFC];
	_ =	sdelay $0x3  }
0x95: {  	_ =	strace s4  }
0x96: {  	s4 =	sld [smem:$0x3FFD];
	_ =	sdelay $0x3  }
0x97: {  	_ =	strace s4  }
0x98: {  	_ =	strace $0x8FFFFFFF  }
0x99: {  	s19 =	sld [smem:$0x3FDB];
	_ =	sdelay $0x1  }
0x9a: {  	s5 =	simm.s32 $_scs_section_size  }
0x9b: {  	s6 =	simm.s32 $_size__tile_overlayer_lowered;
	s7 =	simm.s32 $_tile_overlayer_lowered  }
0x9c: {  	s22 =	simm.s32 $0x1BFF;
	s21 =	sshll.u32 s7, $0x1;
	s4 =	sadd.s32 s5, s19  }
0x9d: {  	s8 =	simm.s32 $0x0;
	s20 =	sshll.u32 s6, $0x1;
	s6 =	sadd.s32 s21, s4  }
0x9e: {  	[timem:s8], [sflag:s22] =	dma.local [hbm:s6], s20  }
0x9f: {  	_ =	swait.ge [sflag:s22], s20  }
0xa0: {  	s5 =	ssub.s32 $0x0, s20;
	[sflag:s22] =	ssyncset.done $0x0  }
0xa1: {  	[sflag:s22] =	ssyncadd.s32 s5;
	_ =	sdelay $0x1  }
0xa2: {  	s23 =	simm.s32 $0x1B8B  }
0xa3: {  	_ =	swait.ge [sflag:s23], $0x1  }
0xa4: {  	[sflag:s23] =	ssyncset.done $0x0  }
0xa5: {  	s25 =	simm.s32 $0x1B8E;
	s24 =	sld [smem:$0x3FFE];
	[sflag:s23] =	ssyncadd.s32 $0xFFFFFFFF  }
0xa6: {  	s26 =	simm.s32 $execute0_lowered;
	[smem:$0x3FD2] =	sst s25  }
0xa7: {  	s6 =	sshll.u32 s26, $0x1;
	_ =	strace $0x80000046;
	[dreg:$0x1] =	wrdreg $0xFFFFFFFF  }
0xa8: {  	s28 =	simm.s32 $_size_execute0_lowered;
	s4 =	sadd.s32 s4, s6;
	[dreg:$0x0] =	wrdreg $0x0  }
0xa9: {  	s6 =	sshll.u32 s28, $0x1;
	[dreg:$0x2] =	wrdreg s4  }
0xaa: {  	[dreg:$0x3] =	wrdreg s6  }
0xab: {  	[dreg:$0x4] =	wrdreg $0xC0  }
0xac: {  	_ =	task [dreg:s8], $0x5FFFF  }
0xad: {  	[dreg:$0x1] =	wrdreg $0xFFFFFFFF  }
0xae: {  	[dreg:$0x0] =	wrdreg $0x60  }
0xaf: {  	[dreg:$0x2] =	wrdreg s24  }
0xb0: {  	[dreg:$0x3] =	wrdreg s2  }
0xb1: {  	[dreg:$0x4] =	wrdreg s18  }
0xb2: {  	[dreg:$0x5] =	wrdreg $0x9  }
0xb3: {  	_ =	task.clear_ibuf [dreg:s8], $0x6FFFF;
	_ =	strace $0x90000046  }
0xb4: {  	s29 =	simm.s32 $0x9;
	_ =	strace $0x80000048  }
0xb5: {  	_ =	swait.ge [sflag:s29], $0x1  }
0xb6: {  	[sflag:s29] =	ssyncadd.s32 $0xFFFFFFFF  }
0xb7: {  	_ =	strace $0x90000048  }
0xb8: {  	_ =	sfence  }
0xb9: {  	s30 =	sld [smem:$0x0];
	_ =	sdelay $0x2  }
0xba: {  	s31 =	sshll.u32 s1, $0xD;
	s1 =	sshrl.u32 s1, $0x2  }
0xbb: {  	s3 =	sand.u32 $0x4000, s31;
	s1 =	sadd.s32 s1, s30  }
0xbc: {  	s0 =	sor.u32 s3, s0;
	s1 =	sshll.u32 s1, $0x11  }
0xbd: {  	s0 =	sor.u32 s1, s0  }
0xbe: {  	s0 =	sadd.s32 $0x8F2B, s0  }
0xbf: {  	[sflag:s0] =	ssyncadd.remote.s32 $0x1  }
0xc0: {  	_ =	sfence.sel $0xFFFF  }
0xc1: {  	[dreg:$0x0] =	wrdreg $0xFFFFFFFF;
	(pc) =	sbr.abs _section_cstart, $3  }
0xc2: {  	[dreg:$0x1] =	wrdreg $0xFFFFFFFF  }
0xc3: {  	_ =	task.clear_ibuf [dreg:s8], $0x2FFFF;
	_ =	strace $0x9FFFFFFF  }
0xc4: {  	(tm) =	ssettm $0x7FFFFFFF  }
0xc5: {  	_ =	shalt  }
tec
execute0_lowered:
.L_overlay_start_1:
0x0: {  	(tag) =	ssettag $0x1  }
0x1: {  	s0 =	rddreg [dreg:$0x0]  }
0x2: {  	s2 =	rddreg [dreg:$0x1]  }
0x3: {  	s1 =	rddreg [dreg:$0x2]  }
0x4: {  	s3 =	srdreg.scid;
	s5 =	stileid.u32;
	s9 =	simm.s32 $0x1  }
0x5: {  	s21 =	simm.s32 $0x3;
	s22 =	simm.s32 $0x4;
	s28 =	simm.s32 $0x1880  }
0x6: {  	s29 =	simm.s32 $0x2080;
	s30 =	simm.s32 $0x2880;
	s31 =	simm.s32 $0x3080  }
0x7: {  	s11 =	simm.s32 $0x4880;
	s12 =	simm.s32 $0x5080;
	s13 =	simm.s32 $0x5880  }
0x8: {  	s14 =	simm.s32 $0x6080;
	s15 =	simm.s32 $0x6880;
	s16 =	simm.s32 $0x7080  }
0x9: {  	s17 =	simm.s32 $0x7880;
	s20 =	simm.s32 $0x8080;
	s18 =	simm.s32 $0x8880  }
0xa: {  	s19 =	simm.s32 $0x9080;
	s4 =	sand.u32 $0x1, s3;
	s3 =	simm.s32 $0x0  }
0xb: {  	s5 =	sshll.u32 s5, $0x8;
	s7 =	sadd.s32 $0x300, s2;
	s6 =	sshll.u32 s4, $0x7  }
0xc: {  	[smem:$0x7FF] =	sst s3;
	s4 =	ssub.s32 $0x2, s4;
	s5 =	sor.u32 s6, s5  }
0xd: {  	_ =	strace $0x80000047;
	s6 =	sshrl.u32 s5, $0x3;
	s5 =	sshll.u32 s5, $0x7  }
0xe: {  	s23 =	sshrl.u32 s4, $0x1;
	s0 =	sadd.s32 s6, s0;
	s1 =	sadd.s32 s1, s5  }
0xf: {  	s4 =	ssub.s32 s4, s23;
	s0 =	sadd.s32 $0xA00, s0;
	[dreg:$0x8] =	wrdreg s1  }
0x10: {  	s5 =	sadd.s32 $0x100, s2;
	s24 =	sadd.s32 $0x1000, s1;
	[dreg:$0x4] =	wrdreg s0  }
0x11: {  	s6 =	sadd.s32 $0x200, s2;
	s25 =	sadd.s32 $0x2000, s1;
	[dreg:$0x5] =	wrdreg s24  }
0x12: {  	v2 =	vlaneseq.u32;
	s8 =	smax.u32 s4, $0x1;
	s26 =	sadd.s32 $0x3000, s1;
	[dreg:$0x6] =	wrdreg s25  }
0x13: {  	vm0 =	vmmov $0xffff;
	v1 =	vshrl.u32 v2, $0x3;
	s4 =	simm.s32 $0x2;
	s1 =	simm.s32 $0x4080;
	[dreg:$0x7] =	wrdreg s26  }
0x14: {  	v0 =	vand.u32 $0x7, v2;
	v2 =	vor.u32 $0x8, v2;
	v1 =	vmul.u32 $0x8, v1;
	s26 =	simm.s32 $0x80;
	s24 =	simm.s32 $0x880;
	s25 =	simm.s32 $0x1080  }
.LBB2_1:
0x15: {  	s23 =	rddreg [dreg:$0x4];
	s0 =	simm.s32 $0x5  }
0x16: {  	[tilespmem:s3], [sflag:$0x5] =	stream.linear.gather [hbm4b:s23+s3], $0x80, $0x38;
	[tilespmem:$0x10080] =	vst v63  }
0x17: {  	_ =	swait.ge [sflag:s0], $0x80  }
0x18: {  	[sflag:s0] =	ssyncset.done $0x0  }
0x19: {  	[sflag:s0] =	ssyncadd.s32 $0xFFFFFF80  }
0x1a: {  	v3 =	vld [tilespmem:$0x0];
	_ =	sdelay $0x4  }
0x1b: {  	v4 =	vshll.u32 v3, $0x3  }
0x1c: {  	v3 =	vand.u32 $0x7, v3;
	v4 =	vand.u32 $0xFFFFFFC0, v4  }
0x1d: {  	v3 =	vor.u32 v3, v4  }
0x1e: {  	v4 =	vperm.xlane v3, v0;
	_ =	sdelay $0x1  }
0x1f: {  	v4 =	vadd.s32 v1, v4;
	_ =	sdelay $0x4  }
0x20: {  	[tilespmem:s26], [sflag:$0x1] =	stream.indirect_vreg.gather [hbm4b:s2+s3], $0x80, v4, vm0, $0xb8;
	[tilespmem:$0x10080] =	vst v63  }
0x21: {  	v3 =	vperm.xlane v3, v2  }
0x22: {  	[tilespmem:s24], [sflag:$0x1] =	stream.indirect_vreg.gather [hbm4b:s5+s3], $0x80, v4, vm0, $0xb8;
	[tilespmem:$0x10080] =	vst v63  }
0x23: {  	v3 =	vadd.s32 v1, v3  }
0x24: {  	[tilespmem:s25], [sflag:$0x1] =	stream.indirect_vreg.gather [hbm4b:s6+s3], $0x80, v4, vm0, $0xb8;
	[tilespmem:$0x10080] =	vst v63  }
0x25: {  	_ = 	snop  }
0x26: {  	[tilespmem:s28], [sflag:$0x1] =	stream.indirect_vreg.gather [hbm4b:s7+s3], $0x80, v4, vm0, $0xb8;
	[tilespmem:$0x10080] =	vst v63  }
0x27: {  	_ = 	snop  }
0x28: {  	[tilespmem:s29], [sflag:$0x1] =	stream.indirect_vreg.gather [hbm4b:s2+s3], $0x80, v3, vm0, $0xb8;
	[tilespmem:$0x10080] =	vst v63  }
0x29: {  	_ = 	snop  }
0x2a: {  	[tilespmem:s30], [sflag:$0x1] =	stream.indirect_vreg.gather [hbm4b:s5+s3], $0x80, v3, vm0, $0xb8;
	[tilespmem:$0x10080] =	vst v63  }
0x2b: {  	_ = 	snop  }
0x2c: {  	[tilespmem:s31], [sflag:$0x1] =	stream.indirect_vreg.gather [hbm4b:s6+s3], $0x80, v3, vm0, $0xb8;
	[tilespmem:$0x10080] =	vst v63  }
0x2d: {  	s0 =	simm.s32 $0x3880  }
0x2e: {  	[tilespmem:s0], [sflag:$0x1] =	stream.indirect_vreg.gather [hbm4b:s7+s3], $0x80, v3, vm0, $0xb8;
	[tilespmem:$0x10080] =	vst v63  }
0x2f: {  	v3 =	vld [tilespmem:$0x10];
	_ =	sdelay $0x4  }
0x30: {  	v57 =	vshll.u32 v3, $0x3  }
0x31: {  	v3 =	vand.u32 $0x7, v3;
	v4 =	vand.u32 $0xFFFFFFC0, v57  }
0x32: {  	v3 =	vor.u32 v3, v4  }
0x33: {  	v4 =	vperm.xlane v3, v0;
	_ =	sdelay $0x1  }
0x34: {  	v4 =	vadd.s32 v1, v4;
	_ =	sdelay $0x4  }
0x35: {  	[tilespmem:s1], [sflag:$0x1] =	stream.indirect_vreg.gather [hbm4b:s2+s3], $0x80, v4, vm0, $0xb8;
	[tilespmem:$0x10080] =	vst v63  }
0x36: {  	v3 =	vperm.xlane v3, v2  }
0x37: {  	[tilespmem:s11], [sflag:$0x1] =	stream.indirect_vreg.gather [hbm4b:s5+s3], $0x80, v4, vm0, $0xb8;
	[tilespmem:$0x10080] =	vst v63  }
0x38: {  	v3 =	vadd.s32 v1, v3  }
0x39: {  	[tilespmem:s12], [sflag:$0x1] =	stream.indirect_vreg.gather [hbm4b:s6+s3], $0x80, v4, vm0, $0xb8;
	[tilespmem:$0x10080] =	vst v63  }
0x3a: {  	_ = 	snop  }
0x3b: {  	[tilespmem:s13], [sflag:$0x1] =	stream.indirect_vreg.gather [hbm4b:s7+s3], $0x80, v4, vm0, $0xb8;
	[tilespmem:$0x10080] =	vst v63  }
0x3c: {  	_ = 	snop  }
0x3d: {  	[tilespmem:s14], [sflag:$0x1] =	stream.indirect_vreg.gather [hbm4b:s2+s3], $0x80, v3, vm0, $0xb8;
	[tilespmem:$0x10080] =	vst v63  }
0x3e: {  	_ = 	snop  }
0x3f: {  	[tilespmem:s15], [sflag:$0x1] =	stream.indirect_vreg.gather [hbm4b:s5+s3], $0x80, v3, vm0, $0xb8;
	[tilespmem:$0x10080] =	vst v63  }
0x40: {  	_ = 	snop  }
0x41: {  	[tilespmem:s16], [sflag:$0x1] =	stream.indirect_vreg.gather [hbm4b:s6+s3], $0x80, v3, vm0, $0xb8;
	[tilespmem:$0x10080] =	vst v63  }
0x42: {  	_ = 	snop  }
0x43: {  	[tilespmem:s17], [sflag:$0x1] =	stream.indirect_vreg.gather [hbm4b:s7+s3], $0x80, v3, vm0, $0xb8;
	[tilespmem:$0x10080] =	vst v63  }
0x44: {  	v3 =	vld [tilespmem:$0x20];
	_ =	sdelay $0x4  }
0x45: {  	v58 =	vshll.u32 v3, $0x3  }
0x46: {  	v3 =	vand.u32 $0x7, v3;
	v4 =	vand.u32 $0xFFFFFFC0, v58  }
0x47: {  	v3 =	vor.u32 v3, v4  }
0x48: {  	v4 =	vperm.xlane v3, v0;
	_ =	sdelay $0x1  }
0x49: {  	v4 =	vadd.s32 v1, v4;
	_ =	sdelay $0x4  }
0x4a: {  	[tilespmem:s20], [sflag:$0x2] =	stream.indirect_vreg.gather [hbm4b:s2+s3], $0x80, v4, vm0, $0xb8;
	[tilespmem:$0x10080] =	vst v63  }
0x4b: {  	v3 =	vperm.xlane v3, v2  }
0x4c: {  	[tilespmem:s18], [sflag:$0x2] =	stream.indirect_vreg.gather [hbm4b:s5+s3], $0x80, v4, vm0, $0xb8;
	[tilespmem:$0x10080] =	vst v63  }
0x4d: {  	v3 =	vadd.s32 v1, v3  }
0x4e: {  	[tilespmem:s19], [sflag:$0x2] =	stream.indirect_vreg.gather [hbm4b:s6+s3], $0x80, v4, vm0, $0xb8;
	[tilespmem:$0x10080] =	vst v63  }
0x4f: {  	s10 =	simm.s32 $0x9880  }
0x50: {  	[tilespmem:s10], [sflag:$0x2] =	stream.indirect_vreg.gather [hbm4b:s7+s3], $0x80, v4, vm0, $0xb8;
	[tilespmem:$0x10080] =	vst v63  }
0x51: {  	s10 =	simm.s32 $0xA080  }
0x52: {  	[tilespmem:s10], [sflag:$0x2] =	stream.indirect_vreg.gather [hbm4b:s2+s3], $0x80, v3, vm0, $0xb8;
	[tilespmem:$0x10080] =	vst v63  }
0x53: {  	s23 =	simm.s32 $0xA880  }
0x54: {  	[tilespmem:s23], [sflag:$0x2] =	stream.indirect_vreg.gather [hbm4b:s5+s3], $0x80, v3, vm0, $0xb8;
	[tilespmem:$0x10080] =	vst v63  }
0x55: {  	s23 =	simm.s32 $0xB080  }
0x56: {  	[tilespmem:s23], [sflag:$0x2] =	stream.indirect_vreg.gather [hbm4b:s6+s3], $0x80, v3, vm0, $0xb8;
	[tilespmem:$0x10080] =	vst v63  }
0x57: {  	s23 =	simm.s32 $0xB880  }
0x58: {  	[tilespmem:s23], [sflag:$0x2] =	stream.indirect_vreg.gather [hbm4b:s7+s3], $0x80, v3, vm0, $0xb8;
	[tilespmem:$0x10080] =	vst v63  }
0x59: {  	v3 =	vld [tilespmem:$0x30];
	_ =	sdelay $0x4  }
0x5a: {  	v59 =	vshll.u32 v3, $0x3  }
0x5b: {  	v3 =	vand.u32 $0x7, v3;
	v4 =	vand.u32 $0xFFFFFFC0, v59  }
0x5c: {  	v3 =	vor.u32 v3, v4  }
0x5d: {  	v4 =	vperm.xlane v3, v0;
	_ =	sdelay $0x1  }
0x5e: {  	v4 =	vadd.s32 v1, v4;
	_ =	sdelay $0x3  }
0x5f: {  	s23 =	simm.s32 $0xC080  }
0x60: {  	[tilespmem:s23], [sflag:$0x2] =	stream.indirect_vreg.gather [hbm4b:s2+s3], $0x80, v4, vm0, $0xb8;
	[tilespmem:$0x10080] =	vst v63  }
0x61: {  	v3 =	vperm.xlane v3, v2;
	s23 =	simm.s32 $0xC880  }
0x62: {  	[tilespmem:s23], [sflag:$0x2] =	stream.indirect_vreg.gather [hbm4b:s5+s3], $0x80, v4, vm0, $0xb8;
	[tilespmem:$0x10080] =	vst v63  }
0x63: {  	v3 =	vadd.s32 v1, v3;
	s23 =	simm.s32 $0xD080  }
0x64: {  	[tilespmem:s23], [sflag:$0x2] =	stream.indirect_vreg.gather [hbm4b:s6+s3], $0x80, v4, vm0, $0xb8;
	[tilespmem:$0x10080] =	vst v63  }
0x65: {  	s23 =	simm.s32 $0xD880  }
0x66: {  	[tilespmem:s23], [sflag:$0x2] =	stream.indirect_vreg.gather [hbm4b:s7+s3], $0x80, v4, vm0, $0xb8;
	[tilespmem:$0x10080] =	vst v63  }
0x67: {  	s23 =	simm.s32 $0xE080  }
0x68: {  	[tilespmem:s23], [sflag:$0x2] =	stream.indirect_vreg.gather [hbm4b:s2+s3], $0x80, v3, vm0, $0xb8;
	[tilespmem:$0x10080] =	vst v63  }
0x69: {  	s23 =	simm.s32 $0xE880  }
0x6a: {  	[tilespmem:s23], [sflag:$0x2] =	stream.indirect_vreg.gather [hbm4b:s5+s3], $0x80, v3, vm0, $0xb8;
	[tilespmem:$0x10080] =	vst v63  }
0x6b: {  	s23 =	simm.s32 $0xF080  }
0x6c: {  	[tilespmem:s23], [sflag:$0x2] =	stream.indirect_vreg.gather [hbm4b:s6+s3], $0x80, v3, vm0, $0xb8;
	[tilespmem:$0x10080] =	vst v63  }
0x6d: {  	s23 =	simm.s32 $0xF880  }
0x6e: {  	[tilespmem:s23], [sflag:$0x2] =	stream.indirect_vreg.gather [hbm4b:s7+s3], $0x80, v3, vm0, $0xb8;
	[tilespmem:$0x10080] =	vst v63  }
0x6f: {  	_ =	swait.ge [sflag:s9], $0x8000  }
0x70: {  	[sflag:s9] =	ssyncset.done $0x0  }
0x71: {  	s23 =	rddreg [dreg:$0x8];
	[sflag:s9] =	ssyncadd.s32 $0xFFFF8000  }
0x72: {  	[hbm4b:s23+s3] =	stream.linear.scatter [tilespmem:s26], [sflag:$0x3], $0x8000, $0x38;
	[tilespmem:$0x10080] =	vst v63  }
0x73: {  	_ =	swait.ge [sflag:s21], $0x8000  }
0x74: {  	[sflag:s21] =	ssyncset.done $0x0  }
0x75: {  	[sflag:s21] =	ssyncadd.s32 $0xFFFF8000  }
0x76: {  	v3 =	vld [tilespmem:$0x40];
	_ =	sdelay $0x4  }
0x77: {  	v60 =	vshll.u32 v3, $0x3  }
0x78: {  	v3 =	vand.u32 $0x7, v3;
	v4 =	vand.u32 $0xFFFFFFC0, v60  }
0x79: {  	v3 =	vor.u32 v3, v4  }
0x7a: {  	v4 =	vperm.xlane v3, v0;
	_ =	sdelay $0x1  }
0x7b: {  	v4 =	vadd.s32 v1, v4;
	_ =	sdelay $0x4  }
0x7c: {  	[tilespmem:s26], [sflag:$0x1] =	stream.indirect_vreg.gather [hbm4b:s2+s3], $0x80, v4, vm0, $0xb8;
	[tilespmem:$0x10080] =	vst v63  }
0x7d: {  	v3 =	vperm.xlane v3, v2  }
0x7e: {  	[tilespmem:s24], [sflag:$0x1] =	stream.indirect_vreg.gather [hbm4b:s5+s3], $0x80, v4, vm0, $0xb8;
	[tilespmem:$0x10080] =	vst v63  }
0x7f: {  	v3 =	vadd.s32 v1, v3  }
0x80: {  	[tilespmem:s25], [sflag:$0x1] =	stream.indirect_vreg.gather [hbm4b:s6+s3], $0x80, v4, vm0, $0xb8;
	[tilespmem:$0x10080] =	vst v63  }
0x81: {  	_ = 	snop  }
0x82: {  	[tilespmem:s28], [sflag:$0x1] =	stream.indirect_vreg.gather [hbm4b:s7+s3], $0x80, v4, vm0, $0xb8;
	[tilespmem:$0x10080] =	vst v63  }
0x83: {  	_ = 	snop  }
0x84: {  	[tilespmem:s29], [sflag:$0x1] =	stream.indirect_vreg.gather [hbm4b:s2+s3], $0x80, v3, vm0, $0xb8;
	[tilespmem:$0x10080] =	vst v63  }
0x85: {  	_ = 	snop  }
0x86: {  	[tilespmem:s30], [sflag:$0x1] =	stream.indirect_vreg.gather [hbm4b:s5+s3], $0x80, v3, vm0, $0xb8;
	[tilespmem:$0x10080] =	vst v63  }
0x87: {  	_ = 	snop  }
0x88: {  	[tilespmem:s31], [sflag:$0x1] =	stream.indirect_vreg.gather [hbm4b:s6+s3], $0x80, v3, vm0, $0xb8;
	[tilespmem:$0x10080] =	vst v63  }
0x89: {  	_ = 	snop  }
0x8a: {  	[tilespmem:s0], [sflag:$0x1] =	stream.indirect_vreg.gather [hbm4b:s7+s3], $0x80, v3, vm0, $0xb8;
	[tilespmem:$0x10080] =	vst v63  }
0x8b: {  	v3 =	vld [tilespmem:$0x50];
	_ =	sdelay $0x4  }
0x8c: {  	v61 =	vshll.u32 v3, $0x3  }
0x8d: {  	v3 =	vand.u32 $0x7, v3;
	v4 =	vand.u32 $0xFFFFFFC0, v61  }
0x8e: {  	v3 =	vor.u32 v3, v4  }
0x8f: {  	v4 =	vperm.xlane v3, v0;
	_ =	sdelay $0x1  }
0x90: {  	v4 =	vadd.s32 v1, v4;
	_ =	sdelay $0x4  }
0x91: {  	[tilespmem:s1], [sflag:$0x1] =	stream.indirect_vreg.gather [hbm4b:s2+s3], $0x80, v4, vm0, $0xb8;
	[tilespmem:$0x10080] =	vst v63  }
0x92: {  	v3 =	vperm.xlane v3, v2  }
0x93: {  	[tilespmem:s11], [sflag:$0x1] =	stream.indirect_vreg.gather [hbm4b:s5+s3], $0x80, v4, vm0, $0xb8;
	[tilespmem:$0x10080] =	vst v63  }
0x94: {  	v3 =	vadd.s32 v1, v3  }
0x95: {  	[tilespmem:s12], [sflag:$0x1] =	stream.indirect_vreg.gather [hbm4b:s6+s3], $0x80, v4, vm0, $0xb8;
	[tilespmem:$0x10080] =	vst v63  }
0x96: {  	_ = 	snop  }
0x97: {  	[tilespmem:s13], [sflag:$0x1] =	stream.indirect_vreg.gather [hbm4b:s7+s3], $0x80, v4, vm0, $0xb8;
	[tilespmem:$0x10080] =	vst v63  }
0x98: {  	_ = 	snop  }
0x99: {  	[tilespmem:s14], [sflag:$0x1] =	stream.indirect_vreg.gather [hbm4b:s2+s3], $0x80, v3, vm0, $0xb8;
	[tilespmem:$0x10080] =	vst v63  }
0x9a: {  	_ = 	snop  }
0x9b: {  	[tilespmem:s15], [sflag:$0x1] =	stream.indirect_vreg.gather [hbm4b:s5+s3], $0x80, v3, vm0, $0xb8;
	[tilespmem:$0x10080] =	vst v63  }
0x9c: {  	_ = 	snop  }
0x9d: {  	[tilespmem:s16], [sflag:$0x1] =	stream.indirect_vreg.gather [hbm4b:s6+s3], $0x80, v3, vm0, $0xb8;
	[tilespmem:$0x10080] =	vst v63  }
0x9e: {  	_ = 	snop  }
0x9f: {  	[tilespmem:s17], [sflag:$0x1] =	stream.indirect_vreg.gather [hbm4b:s7+s3], $0x80, v3, vm0, $0xb8;
	[tilespmem:$0x10080] =	vst v63  }
0xa0: {  	_ =	swait.ge [sflag:s4], $0x8000  }
0xa1: {  	[sflag:s4] =	ssyncset.done $0x0  }
0xa2: {  	s0 =	rddreg [dreg:$0x5];
	[sflag:s4] =	ssyncadd.s32 $0xFFFF8000  }
0xa3: {  	[hbm4b:s0+s3] =	stream.linear.scatter [tilespmem:s20], [sflag:$0x4], $0x8000, $0x38;
	[tilespmem:$0x10080] =	vst v63  }
0xa4: {  	_ =	swait.ge [sflag:s22], $0x8000  }
0xa5: {  	[sflag:s22] =	ssyncset.done $0x0  }
0xa6: {  	[sflag:s22] =	ssyncadd.s32 $0xFFFF8000  }
0xa7: {  	v3 =	vld [tilespmem:$0x60];
	_ =	sdelay $0x4  }
0xa8: {  	v62 =	vshll.u32 v3, $0x3  }
0xa9: {  	v3 =	vand.u32 $0x7, v3;
	v4 =	vand.u32 $0xFFFFFFC0, v62  }
0xaa: {  	v3 =	vor.u32 v3, v4  }
0xab: {  	v4 =	vperm.xlane v3, v0;
	_ =	sdelay $0x1  }
0xac: {  	v4 =	vadd.s32 v1, v4;
	_ =	sdelay $0x4  }
0xad: {  	[tilespmem:s20], [sflag:$0x2] =	stream.indirect_vreg.gather [hbm4b:s2+s3], $0x80, v4, vm0, $0xb8;
	[tilespmem:$0x10080] =	vst v63  }
0xae: {  	v3 =	vperm.xlane v3, v2  }
0xaf: {  	[tilespmem:s18], [sflag:$0x2] =	stream.indirect_vreg.gather [hbm4b:s5+s3], $0x80, v4, vm0, $0xb8;
	[tilespmem:$0x10080] =	vst v63  }
0xb0: {  	v3 =	vadd.s32 v1, v3  }
0xb1: {  	[tilespmem:s19], [sflag:$0x2] =	stream.indirect_vreg.gather [hbm4b:s6+s3], $0x80, v4, vm0, $0xb8;
	[tilespmem:$0x10080] =	vst v63  }
0xb2: {  	s23 =	simm.s32 $0x9880  }
0xb3: {  	[tilespmem:s23], [sflag:$0x2] =	stream.indirect_vreg.gather [hbm4b:s7+s3], $0x80, v4, vm0, $0xb8;
	[tilespmem:$0x10080] =	vst v63  }
0xb4: {  	_ = 	snop  }
0xb5: {  	[tilespmem:s10], [sflag:$0x2] =	stream.indirect_vreg.gather [hbm4b:s2+s3], $0x80, v3, vm0, $0xb8;
	[tilespmem:$0x10080] =	vst v63  }
0xb6: {  	s23 =	simm.s32 $0xA880  }
0xb7: {  	[tilespmem:s23], [sflag:$0x2] =	stream.indirect_vreg.gather [hbm4b:s5+s3], $0x80, v3, vm0, $0xb8;
	[tilespmem:$0x10080] =	vst v63  }
0xb8: {  	s10 =	simm.s32 $0xB080  }
0xb9: {  	[tilespmem:s10], [sflag:$0x2] =	stream.indirect_vreg.gather [hbm4b:s6+s3], $0x80, v3, vm0, $0xb8;
	[tilespmem:$0x10080] =	vst v63  }
0xba: {  	s23 =	simm.s32 $0xB880  }
0xbb: {  	[tilespmem:s23], [sflag:$0x2] =	stream.indirect_vreg.gather [hbm4b:s7+s3], $0x80, v3, vm0, $0xb8;
	[tilespmem:$0x10080] =	vst v63  }
0xbc: {  	v3 =	vld [tilespmem:$0x70];
	_ =	sdelay $0x4  }
0xbd: {  	v63 =	vshll.u32 v3, $0x3  }
0xbe: {  	v3 =	vand.u32 $0x7, v3;
	v4 =	vand.u32 $0xFFFFFFC0, v63  }
0xbf: {  	v3 =	vor.u32 v3, v4  }
0xc0: {  	v4 =	vperm.xlane v3, v0;
	_ =	sdelay $0x1  }
0xc1: {  	v4 =	vadd.s32 v1, v4;
	_ =	sdelay $0x3  }
0xc2: {  	s10 =	simm.s32 $0xC080  }
0xc3: {  	[tilespmem:s10], [sflag:$0x2] =	stream.indirect_vreg.gather [hbm4b:s2+s3], $0x80, v4, vm0, $0xb8;
	[tilespmem:$0x10080] =	vst v63  }
0xc4: {  	s23 =	simm.s32 $0xC880;
	v3 =	vperm.xlane v3, v2  }
0xc5: {  	[tilespmem:s23], [sflag:$0x2] =	stream.indirect_vreg.gather [hbm4b:s5+s3], $0x80, v4, vm0, $0xb8;
	[tilespmem:$0x10080] =	vst v63  }
0xc6: {  	v3 =	vadd.s32 v1, v3;
	s10 =	simm.s32 $0xD080  }
0xc7: {  	[tilespmem:s10], [sflag:$0x2] =	stream.indirect_vreg.gather [hbm4b:s6+s3], $0x80, v4, vm0, $0xb8;
	[tilespmem:$0x10080] =	vst v63  }
0xc8: {  	s23 =	simm.s32 $0xD880  }
0xc9: {  	[tilespmem:s23], [sflag:$0x2] =	stream.indirect_vreg.gather [hbm4b:s7+s3], $0x80, v4, vm0, $0xb8;
	[tilespmem:$0x10080] =	vst v63  }
0xca: {  	s10 =	simm.s32 $0xE080  }
0xcb: {  	[tilespmem:s10], [sflag:$0x2] =	stream.indirect_vreg.gather [hbm4b:s2+s3], $0x80, v3, vm0, $0xb8;
	[tilespmem:$0x10080] =	vst v63  }
0xcc: {  	s23 =	simm.s32 $0xE880  }
0xcd: {  	[tilespmem:s23], [sflag:$0x2] =	stream.indirect_vreg.gather [hbm4b:s5+s3], $0x80, v3, vm0, $0xb8;
	[tilespmem:$0x10080] =	vst v63  }
0xce: {  	s10 =	simm.s32 $0xF080  }
0xcf: {  	[tilespmem:s10], [sflag:$0x2] =	stream.indirect_vreg.gather [hbm4b:s6+s3], $0x80, v3, vm0, $0xb8;
	[tilespmem:$0x10080] =	vst v63  }
0xd0: {  	s23 =	simm.s32 $0xF880  }
0xd1: {  	[tilespmem:s23], [sflag:$0x2] =	stream.indirect_vreg.gather [hbm4b:s7+s3], $0x80, v3, vm0, $0xb8;
	[tilespmem:$0x10080] =	vst v63  }
0xd2: {  	_ =	swait.ge [sflag:s9], $0x8000  }
0xd3: {  	[sflag:s9] =	ssyncset.done $0x0  }
0xd4: {  	s0 =	rddreg [dreg:$0x6];
	[sflag:s9] =	ssyncadd.s32 $0xFFFF8000  }
0xd5: {  	[hbm4b:s0+s3] =	stream.linear.scatter [tilespmem:s26], [sflag:$0x3], $0x8000, $0x38;
	[tilespmem:$0x10080] =	vst v63  }
0xd6: {  	_ =	swait.ge [sflag:s4], $0x8000  }
0xd7: {  	[sflag:s4] =	ssyncset.done $0x0  }
0xd8: {  	s10 =	rddreg [dreg:$0x7];
	[sflag:s4] =	ssyncadd.s32 $0xFFFF8000  }
0xd9: {  	[hbm4b:s10+s3] =	stream.linear.scatter [tilespmem:s20], [sflag:$0x4], $0x8000, $0x38;
	[tilespmem:$0x10080] =	vst v63  }
0xda: {  	p0 =	sne.s32 s8, $0x1;
	_ =	swait.ge [sflag:s21], $0x8000  }
.Ltmp0:
0xdb: {  	[sflag:s21] =	ssyncset.done $0x0;
	(pc) =	sbr.rel @p0 .LBB2_1-.Ltmp0, $4  }
0xdc: {  	[sflag:s21] =	ssyncadd.s32 $0xFFFF8000  }
0xdd: {  	_ =	swait.ge [sflag:s22], $0x8000  }
0xde: {  	[sflag:s22] =	ssyncset.done $0x0  }
0xdf: {  	s8 =	sadd.s32 $0xFFFFFFFF, s8;
	[sflag:s22] =	ssyncadd.s32 $0xFFFF8000  }
0xe0: {  	_ =	sfence.sel $0x180000  }
0xe1: {  	[bflag:$0x0] =	sbarrier.arrive $0xFFFF  }
0xe2: {  	_ =	strace $0x90000047  }
0xe3: {  	s0 =	stileid.u32;
	[bflag:$0x2] =	sbarrier.arrive $0xFFFF  }
0xe4: {  	p0 =	sne.s32 s0, $0x0;
	s0 =	rddreg [dreg:$0x3]  }
0xe5: {  	s0 =	sadd.s32 @!p0 $0x100000, s0  }
0xe6: {  	[sflag:s0] =	ssyncadd.tile.s32 @!p0 $0x1;
	_ =	shalt  }
.Lfunc_end2:
_tile_overlayer_lowered:
.L_overlay_start_2:
0xe7: {  	(tag) =	ssettag $0x2  }
0xe8: {  	s0 =	rddreg [dreg:$0x0];
	s2 =	stileid.u32  }
0xe9: {  	s1 =	rddreg [dreg:$0x1];
	p0 =	sne.s32 s2, $0x0  }
0xea: {  	s3 =	rddreg [dreg:$0x2];
	[bflag:$0x3] =	sbarrier.arrive $0xFFFF;
	s2 =	simm.s32 @!p0 $0x1C05  }
0xeb: {  	[timem:s3], [sflag:s2] =	dma.local @!p0 [hbm:s0], s1  }
0xec: {  	s0 =	simm.s32 @!p0 $0x5  }
0xed: {  	_ =	swait.ge @!p0 [sflag:s0], s1  }
0xee: {  	s1 =	ssub.s32 @!p0 $0x0, s1;
	[sflag:s0] =	ssyncset.done @!p0 $0x0  }
0xef: {  	[sflag:s0] =	ssyncadd.s32 @!p0 s1  }
0xf0: {  	[bflag:$0x3] =	sbarrier.arrive $0xFFFF  }
0xf1: {  	_ =	shalt  }

</sc_bundles>
